<compile_context>
chip_gen: v7x
topology: tpu7x:2x2x1
jax: 0.10.2.dev20260603
libtpu: 0.0.44.dev20260713+nightly
codegen_flags: <defaults>
</compile_context>

<pallas_src>
import functools

import jax
import jax.numpy as jnp
from jax import lax
from jax.experimental import pallas as pl
from jax.experimental.pallas import tpu as pltpu
from jax.experimental.pallas import tpu_sc as plsc

_B, _T, _D, _K = 16, 1024, 64, 1024
_BETA = 0.25

_NC, _NS = 2, 16
_NW = _NC * _NS
_N = _B * _T
_CHUNK = 128
_NCH = _N // (_NW * _CHUNK)


def _vq_body(z_ref, cb_ref, nz_ref, ne_ref, sim_ref, ids_ref, loss_ref):
    i = pl.program_id(0)
    z = z_ref[...]
    cb = cb_ref[...]
    nz_row = nz_ref[pl.ds(i, 1), :]
    nz = jnp.transpose(nz_row, (1, 0))
    ne = ne_ref[...]
    dot = jax.lax.dot_general(z, cb, (((1,), (1,)), ((), ())),
                              preferred_element_type=jnp.float32)
    dist = -2.0 * dot + nz + ne
    m = jnp.min(dist, axis=1, keepdims=True)
    lane = jax.lax.broadcasted_iota(jnp.int32, (_T, _K), 1)
    idx = jnp.min(jnp.where(dist == m, lane, _K), axis=1, keepdims=True)
    sim_ref[...] = dot * jax.lax.rsqrt(nz) * jax.lax.rsqrt(ne)
    ids_ref[pl.ds(i, 1), :] = jnp.transpose(idx, (1, 0))
    norms = jnp.sqrt(jnp.maximum(m, 0.0))
    loss_ref[...] = jnp.sum(norms, axis=0, keepdims=True).reshape(1, 1)


@functools.partial(
    pl.kernel,
    mesh=plsc.VectorSubcoreMesh(core_axis_name="c", subcore_axis_name="s"),
    compiler_params=pltpu.CompilerParams(use_tc_tiling_on_sc=False),
    out_type=jax.ShapeDtypeStruct((_B, _T, _D), jnp.float32),
    scratch_types=[
        pltpu.VMEM((_NCH, _CHUNK), jnp.int32),
        pltpu.VMEM((_NCH, _CHUNK, _D), jnp.float32),
        pltpu.SemaphoreType.DMA,
    ],
)
def _sc_gather(cb_hbm, ids_hbm, out_hbm, idx_v, rows_v, sem):
    wid = lax.axis_index("s") * _NC + lax.axis_index("c")
    b = wid // 2
    t0 = (wid % 2) * (_NCH * _CHUNK)
    pltpu.sync_copy(ids_hbm.at[wid], idx_v)
    copies = [
        pltpu.async_copy(cb_hbm.at[idx_v.at[j]], rows_v.at[j], sem)
        for j in range(_NCH)
    ]
    for c in copies:
        c.wait()
    for j in range(_NCH):
        pltpu.sync_copy(rows_v.at[j], out_hbm.at[b, pl.ds(t0 + j * _CHUNK, _CHUNK)])


def kernel(z, codebook):
    nz2 = jnp.sum(jnp.square(z), axis=2)
    ne2 = jnp.sum(jnp.square(codebook), axis=1).reshape(1, _K)
    sim, ids, loss = pl.pallas_call(
        _vq_body,
        grid=(_B,),
        in_specs=[
            pl.BlockSpec((None, _T, _D), lambda i: (i, 0, 0)),
            pl.BlockSpec((_K, _D), lambda i: (0, 0)),
            pl.BlockSpec((_B, _T), lambda i: (0, 0)),
            pl.BlockSpec((1, _K), lambda i: (0, 0)),
        ],
        out_specs=[
            pl.BlockSpec((None, _T, _K), lambda i: (i, 0, 0)),
            pl.BlockSpec((_B, _T), lambda i: (0, 0)),
            pl.BlockSpec((None, 1, 1), lambda i: (i, 0, 0)),
        ],
        out_shape=[
            jax.ShapeDtypeStruct((_B, _T, _K), jnp.float32),
            jax.ShapeDtypeStruct((_B, _T), jnp.int32),
            jax.ShapeDtypeStruct((_B, 1, 1), jnp.float32),
        ],
    )(z, codebook, nz2, ne2)
    ids_chunks = ids.reshape(_NW, _NCH, _CHUNK)
    zq = _sc_gather(codebook, ids_chunks)
    loss_vq = jnp.sum(loss) * (1.0 + _BETA) / (_B * _T)
    return zq, sim, ids, loss_vq

# --- scband reference (transcript-rebuilt; emitter-appended) ---
"""Pipeline reference for scband-vector-quantiser-41446434406494 (READ-ONLY COPY).

The authoritative reference and input builder live on the scoring server;
editing this copy changes nothing except your own understanding.
"""

import jax, jax.numpy as jnp
import numpy as np

BETA = 0.25

def setup_inputs(seed: int = 0) -> dict:
    key = jax.random.key(seed)
    k1, k2 = jax.random.split(key)
    z = jax.random.normal(k1, (16, 1024, 64), dtype=jnp.float32)
    codebook = jax.random.normal(k2, (1024, 64), dtype=jnp.float32)
    return {"z": z, "codebook": codebook}

def reference(z, codebook):
    # quantise: tensordot of z (axis 2) with codebook (axis 1)
    dot_z_embedding = jnp.tensordot(z, codebook, axes=[[2], [1]])  # [B, T, K]
    norm_sq_z = jnp.sum(jnp.square(z), axis=2)                     # [B, T]
    norm_sq_embedding = jnp.sum(jnp.square(codebook), axis=1)      # [K]
    norm_sq_z = jnp.expand_dims(norm_sq_z, axis=-1)                # [B, T, 1]
    dist_quantisation = -2.0 * dot_z_embedding + norm_sq_z + norm_sq_embedding
    ids_embedding = jnp.argmin(dist_quantisation, axis=-1)         # [B, T]
    z_q = jnp.take(codebook, ids_embedding, axis=0)                # [B, T, d]
    similarity = dot_z_embedding / jnp.sqrt(norm_sq_z) / jnp.sqrt(norm_sq_embedding)
    # quantisation loss (added via add_loss in the original layer)
    loss_codebook = jnp.mean(jnp.linalg.norm(z - jax.lax.stop_gradient(z_q), axis=2))
    loss_commit = jnp.mean(jnp.linalg.norm(jax.lax.stop_gradient(z) - z_q, axis=2))
    loss_vq = loss_codebook + loss_commit * BETA
    return z_q, similarity, ids_embedding, loss_vq

if __name__ == "__main__":
    import jax
    _d = setup_inputs()
    print(jax.jit(kernel)(*tuple(_d.values())))

</pallas_src>

<mosaic_0001>
#map = affine_map<(d0, d1) -> (0, 0)>
#map1 = affine_map<(d0, d1) -> (0, 0, 0)>
module attributes {stable_mosaic.version = 14 : i64} {
  func.func @_sc_gather(%arg0: i32, %arg1: i32, %arg2: memref<1024x64xf32, #tpu.memory_space<hbm>>, %arg3: memref<32x4x128xi32, #tpu.memory_space<hbm>>, %arg4: memref<16x1024x64xf32, #tpu.memory_space<hbm>>, %arg5: memref<4x128xi32, #tpu.memory_space<vmem>>, %arg6: memref<4x128x64xf32, #tpu.memory_space<vmem>>, %arg7: memref<!tpu.dma_semaphore, #tpu.memory_space<semaphore_mem>>) attributes {dimension_semantics = [#tpu.dimension_semantics<core_parallel>, #tpu.dimension_semantics<subcore_parallel>], iteration_bounds = array<i64: 2, 16>, scalar_prefetch = 0 : i64, scratch_operands = 3 : i64, tpu.core_type = #tpu.core_type<sc_vector_subcore>, window_params = [{transform_indices = #map}, {transform_indices = #map1}, {transform_indices = #map1}]} {
    %mul3A = arith.constant 2 : i32
    %mul3A_0 = arith.muli %arg1, %mul3A : i32
    %add3A = arith.addi %mul3A_0, %arg0 : i32
    %jit3A = arith.constant 2 : i32
    %div3A = arith.divsi %add3A, %jit3A : i32
    %sign3A = arith.constant 0 : i32
    %sign3A_1 = arith.cmpi sgt, %add3A, %sign3A : i32
    %sign3A_2 = arith.extui %sign3A_1 : i1 to i32
    %sign3A_3 = arith.constant 0 : i32
    %sign3A_4 = arith.cmpi slt, %add3A, %sign3A_3 : i32
    %sign3A_5 = arith.extui %sign3A_4 : i1 to i32
    %sign3A_6 = arith.subi %sign3A_2, %sign3A_5 : i32
    %sign3A_7 = arith.constant 0 : i32
    %sign3A_8 = arith.cmpi sgt, %jit3A, %sign3A_7 : i32
    %sign3A_9 = arith.extui %sign3A_8 : i1 to i32
    %sign3A_10 = arith.constant 0 : i32
    %sign3A_11 = arith.cmpi slt, %jit3A, %sign3A_10 : i32
    %sign3A_12 = arith.extui %sign3A_11 : i1 to i32
    %sign3A_13 = arith.subi %sign3A_9, %sign3A_12 : i32
    %ne3A = arith.cmpi ne, %sign3A_6, %sign3A_13 : i32
    %rem3A = arith.remsi %add3A, %jit3A : i32
    %ne3A_14 = arith.constant 0 : i32
    %ne3A_15 = arith.cmpi ne, %rem3A, %ne3A_14 : i32
    %and3A = arith.andi %ne3A, %ne3A_15 : i1
    %sub3A = arith.constant 1 : i32
    %sub3A_16 = arith.subi %div3A, %sub3A : i32
    %select_n3A = arith.select %and3A, %sub3A_16, %div3A : i32
    %jit3A_17 = arith.constant 2 : i32
    %eq3A = arith.constant 0 : i32
    %eq3A_18 = arith.cmpi eq, %jit3A_17, %eq3A : i32
    %jit3A_19 = arith.constant 1 : i32
    %select_n3A_20 = arith.select %eq3A_18, %jit3A_19, %jit3A_17 : i32
    %rem3A_21 = arith.remsi %add3A, %select_n3A_20 : i32
    %ne3A_22 = arith.constant 0 : i32
    %ne3A_23 = arith.cmpi ne, %rem3A_21, %ne3A_22 : i32
    %lt3A = arith.constant 0 : i32
    %lt3A_24 = arith.cmpi slt, %rem3A_21, %lt3A : i32
    %lt3A_25 = arith.constant 0 : i32
    %lt3A_26 = arith.cmpi slt, %select_n3A_20, %lt3A_25 : i32
    %ne3A_27 = arith.xori %lt3A_24, %lt3A_26 : i1
    %and3A_28 = arith.andi %ne3A_27, %ne3A_23 : i1
    %add3A_29 = arith.addi %rem3A_21, %select_n3A_20 : i32
    %select_n3A_30 = arith.select %and3A_28, %add3A_29, %rem3A_21 : i32
    %mul3A_31 = arith.constant 512 : i32
    %mul3A_32 = arith.muli %select_n3A_30, %mul3A_31 : i32
    "tpu.region"() ({
      %run_scoped3A_138 = tpu.sem_alloc : memref<!tpu.dma_semaphore, #tpu.memory_space<semaphore_mem>>
      %dma_start3A_139 = arith.constant 0 : i32
      %dma_start3A_140 = arith.constant 0 : i32
      %dma_start3A_141 = tpu.memref_slice %arg3[%add3A, %dma_start3A_139, %dma_start3A_140] : memref<32x4x128xi32, #tpu.memory_space<hbm>> -> memref<1x4x128xi32, #tpu.memory_space<hbm>>
      %dma_start3A_142 = tpu.memref_squeeze %dma_start3A_141 : memref<1x4x128xi32, #tpu.memory_space<hbm>> -> memref<4x128xi32, #tpu.memory_space<hbm>>
      %dma_start3A_143 = arith.constant 0 : i32
      %dma_start3A_144 = arith.constant 0 : i32
      %dma_start3A_145 = tpu.memref_slice %arg3[%add3A, %dma_start3A_143, %dma_start3A_144] : memref<32x4x128xi32, #tpu.memory_space<hbm>> -> memref<1x4x128xi32, #tpu.memory_space<hbm>>
      %dma_start3A_146 = tpu.memref_squeeze %dma_start3A_145 : memref<1x4x128xi32, #tpu.memory_space<hbm>> -> memref<4x128xi32, #tpu.memory_space<hbm>>
      tpu.enqueue_dma source(%dma_start3A_146 : memref<4x128xi32, #tpu.memory_space<hbm>>) target(%arg5 : memref<4x128xi32, #tpu.memory_space<vmem>>) target_semaphore(%run_scoped3A_138 : memref<!tpu.dma_semaphore, #tpu.memory_space<semaphore_mem>>)
      %dma_wait3A_147 = arith.constant 0 : i32
      %dma_wait3A_148 = arith.constant 0 : i32
      %dma_wait3A_149 = tpu.memref_slice %arg3[%add3A, %dma_wait3A_147, %dma_wait3A_148] : memref<32x4x128xi32, #tpu.memory_space<hbm>> -> memref<1x4x128xi32, #tpu.memory_space<hbm>>
      %dma_wait3A_150 = tpu.memref_squeeze %dma_wait3A_149 : memref<1x4x128xi32, #tpu.memory_space<hbm>> -> memref<4x128xi32, #tpu.memory_space<hbm>>
      %dma_wait3A_151 = arith.constant 0 : i32
      %dma_wait3A_152 = arith.constant 0 : i32
      %dma_wait3A_153 = tpu.memref_slice %arg3[%add3A, %dma_wait3A_151, %dma_wait3A_152] : memref<32x4x128xi32, #tpu.memory_space<hbm>> -> memref<1x4x128xi32, #tpu.memory_space<hbm>>
      %dma_wait3A_154 = tpu.memref_squeeze %dma_wait3A_153 : memref<1x4x128xi32, #tpu.memory_space<hbm>> -> memref<4x128xi32, #tpu.memory_space<hbm>>
      tpu.wait_dma2 semaphore(%run_scoped3A_138 : memref<!tpu.dma_semaphore, #tpu.memory_space<semaphore_mem>>) src(%dma_wait3A_154 : memref<4x128xi32, #tpu.memory_space<hbm>>) dst(%arg5 : memref<4x128xi32, #tpu.memory_space<vmem>>)
      tpu.yield
    }) : () -> ()
    %dma_start3A = arith.constant 0 : i32
    %dma_start3A_33 = arith.constant 0 : i32
    %dma_start3A_34 = arith.constant 0 : i32
    %dma_start3A_35 = arith.constant 0 : i32
    %dma_start3A_36 = tpu.memref_slice %arg6[%dma_start3A_33, %dma_start3A_34, %dma_start3A_35] : memref<4x128x64xf32, #tpu.memory_space<vmem>> -> memref<1x128x64xf32, #tpu.memory_space<vmem>>
    %dma_start3A_37 = tpu.memref_squeeze %dma_start3A_36 : memref<1x128x64xf32, #tpu.memory_space<vmem>> -> memref<128x64xf32, #tpu.memory_space<vmem>>
    %dma_start3A_38 = arith.constant 0 : i32
    %dma_start3A_39 = tpu.memref_slice %arg5[%dma_start3A, %dma_start3A_38] : memref<4x128xi32, #tpu.memory_space<vmem>> -> memref<1x128xi32, #tpu.memory_space<vmem>>
    %dma_start3A_40 = tpu.memref_squeeze %dma_start3A_39 : memref<1x128xi32, #tpu.memory_space<vmem>> -> memref<128xi32, #tpu.memory_space<vmem>>
    %dma_start3A_41 = arith.constant 0 : i32
    %dma_start3A_42 = arith.constant 0 : i32
    %dma_start3A_43 = tpu.memref_slice %arg2[%dma_start3A_41, %dma_start3A_42] : memref<1024x64xf32, #tpu.memory_space<hbm>> -> memref<1024x64xf32, #tpu.memory_space<hbm>>
    tpu.enqueue_indirect_dma source(%dma_start3A_43 : memref<1024x64xf32, #tpu.memory_space<hbm>>) target(%dma_start3A_37 : memref<128x64xf32, #tpu.memory_space<vmem>>) offsets(%dma_start3A_40 : memref<128xi32, #tpu.memory_space<vmem>>) semaphore(%arg7 : memref<!tpu.dma_semaphore, #tpu.memory_space<semaphore_mem>>)
    %dma_start3A_44 = arith.constant 1 : i32
    %dma_start3A_45 = arith.constant 1 : i32
    %dma_start3A_46 = arith.constant 0 : i32
    %dma_start3A_47 = arith.constant 0 : i32
    %dma_start3A_48 = tpu.memref_slice %arg6[%dma_start3A_45, %dma_start3A_46, %dma_start3A_47] : memref<4x128x64xf32, #tpu.memory_space<vmem>> -> memref<1x128x64xf32, #tpu.memory_space<vmem>>
    %dma_start3A_49 = tpu.memref_squeeze %dma_start3A_48 : memref<1x128x64xf32, #tpu.memory_space<vmem>> -> memref<128x64xf32, #tpu.memory_space<vmem>>
    %dma_start3A_50 = arith.constant 0 : i32
    %dma_start3A_51 = tpu.memref_slice %arg5[%dma_start3A_44, %dma_start3A_50] : memref<4x128xi32, #tpu.memory_space<vmem>> -> memref<1x128xi32, #tpu.memory_space<vmem>>
    %dma_start3A_52 = tpu.memref_squeeze %dma_start3A_51 : memref<1x128xi32, #tpu.memory_space<vmem>> -> memref<128xi32, #tpu.memory_space<vmem>>
    %dma_start3A_53 = arith.constant 0 : i32
    %dma_start3A_54 = arith.constant 0 : i32
    %dma_start3A_55 = tpu.memref_slice %arg2[%dma_start3A_53, %dma_start3A_54] : memref<1024x64xf32, #tpu.memory_space<hbm>> -> memref<1024x64xf32, #tpu.memory_space<hbm>>
    tpu.enqueue_indirect_dma source(%dma_start3A_55 : memref<1024x64xf32, #tpu.memory_space<hbm>>) target(%dma_start3A_49 : memref<128x64xf32, #tpu.memory_space<vmem>>) offsets(%dma_start3A_52 : memref<128xi32, #tpu.memory_space<vmem>>) semaphore(%arg7 : memref<!tpu.dma_semaphore, #tpu.memory_space<semaphore_mem>>)
    %dma_start3A_56 = arith.constant 2 : i32
    %dma_start3A_57 = arith.constant 2 : i32
    %dma_start3A_58 = arith.constant 0 : i32
    %dma_start3A_59 = arith.constant 0 : i32
    %dma_start3A_60 = tpu.memref_slice %arg6[%dma_start3A_57, %dma_start3A_58, %dma_start3A_59] : memref<4x128x64xf32, #tpu.memory_space<vmem>> -> memref<1x128x64xf32, #tpu.memory_space<vmem>>
    %dma_start3A_61 = tpu.memref_squeeze %dma_start3A_60 : memref<1x128x64xf32, #tpu.memory_space<vmem>> -> memref<128x64xf32, #tpu.memory_space<vmem>>
    %dma_start3A_62 = arith.constant 0 : i32
    %dma_start3A_63 = tpu.memref_slice %arg5[%dma_start3A_56, %dma_start3A_62] : memref<4x128xi32, #tpu.memory_space<vmem>> -> memref<1x128xi32, #tpu.memory_space<vmem>>
    %dma_start3A_64 = tpu.memref_squeeze %dma_start3A_63 : memref<1x128xi32, #tpu.memory_space<vmem>> -> memref<128xi32, #tpu.memory_space<vmem>>
    %dma_start3A_65 = arith.constant 0 : i32
    %dma_start3A_66 = arith.constant 0 : i32
    %dma_start3A_67 = tpu.memref_slice %arg2[%dma_start3A_65, %dma_start3A_66] : memref<1024x64xf32, #tpu.memory_space<hbm>> -> memref<1024x64xf32, #tpu.memory_space<hbm>>
    tpu.enqueue_indirect_dma source(%dma_start3A_67 : memref<1024x64xf32, #tpu.memory_space<hbm>>) target(%dma_start3A_61 : memref<128x64xf32, #tpu.memory_space<vmem>>) offsets(%dma_start3A_64 : memref<128xi32, #tpu.memory_space<vmem>>) semaphore(%arg7 : memref<!tpu.dma_semaphore, #tpu.memory_space<semaphore_mem>>)
    %dma_start3A_68 = arith.constant 3 : i32
    %dma_start3A_69 = arith.constant 3 : i32
    %dma_start3A_70 = arith.constant 0 : i32
    %dma_start3A_71 = arith.constant 0 : i32
    %dma_start3A_72 = tpu.memref_slice %arg6[%dma_start3A_69, %dma_start3A_70, %dma_start3A_71] : memref<4x128x64xf32, #tpu.memory_space<vmem>> -> memref<1x128x64xf32, #tpu.memory_space<vmem>>
    %dma_start3A_73 = tpu.memref_squeeze %dma_start3A_72 : memref<1x128x64xf32, #tpu.memory_space<vmem>> -> memref<128x64xf32, #tpu.memory_space<vmem>>
    %dma_start3A_74 = arith.constant 0 : i32
    %dma_start3A_75 = tpu.memref_slice %arg5[%dma_start3A_68, %dma_start3A_74] : memref<4x128xi32, #tpu.memory_space<vmem>> -> memref<1x128xi32, #tpu.memory_space<vmem>>
    %dma_start3A_76 = tpu.memref_squeeze %dma_start3A_75 : memref<1x128xi32, #tpu.memory_space<vmem>> -> memref<128xi32, #tpu.memory_space<vmem>>
    %dma_start3A_77 = arith.constant 0 : i32
    %dma_start3A_78 = arith.constant 0 : i32
    %dma_start3A_79 = tpu.memref_slice %arg2[%dma_start3A_77, %dma_start3A_78] : memref<1024x64xf32, #tpu.memory_space<hbm>> -> memref<1024x64xf32, #tpu.memory_space<hbm>>
    tpu.enqueue_indirect_dma source(%dma_start3A_79 : memref<1024x64xf32, #tpu.memory_space<hbm>>) target(%dma_start3A_73 : memref<128x64xf32, #tpu.memory_space<vmem>>) offsets(%dma_start3A_76 : memref<128xi32, #tpu.memory_space<vmem>>) semaphore(%arg7 : memref<!tpu.dma_semaphore, #tpu.memory_space<semaphore_mem>>)
    %dma_wait3A = arith.constant 0 : i32
    %dma_wait3A_80 = arith.constant 0 : i32
    %dma_wait3A_81 = arith.constant 0 : i32
    %dma_wait3A_82 = arith.constant 0 : i32
    %dma_wait3A_83 = tpu.memref_slice %arg6[%dma_wait3A_80, %dma_wait3A_81, %dma_wait3A_82] : memref<4x128x64xf32, #tpu.memory_space<vmem>> -> memref<1x128x64xf32, #tpu.memory_space<vmem>>
    %dma_wait3A_84 = tpu.memref_squeeze %dma_wait3A_83 : memref<1x128x64xf32, #tpu.memory_space<vmem>> -> memref<128x64xf32, #tpu.memory_space<vmem>>
    %dma_wait3A_85 = arith.constant 0 : i32
    %dma_wait3A_86 = tpu.memref_slice %arg5[%dma_wait3A, %dma_wait3A_85] : memref<4x128xi32, #tpu.memory_space<vmem>> -> memref<1x128xi32, #tpu.memory_space<vmem>>
    %dma_wait3A_87 = tpu.memref_squeeze %dma_wait3A_86 : memref<1x128xi32, #tpu.memory_space<vmem>> -> memref<128xi32, #tpu.memory_space<vmem>>
    %dma_wait3A_88 = arith.constant 0 : i32
    %dma_wait3A_89 = arith.constant 0 : i32
    %dma_wait3A_90 = tpu.memref_slice %arg2[%dma_wait3A_88, %dma_wait3A_89] : memref<1024x64xf32, #tpu.memory_space<hbm>> -> memref<1024x64xf32, #tpu.memory_space<hbm>>
    tpu.wait_indirect_dma semaphore(%arg7 : memref<!tpu.dma_semaphore, #tpu.memory_space<semaphore_mem>>) src(%dma_wait3A_90 : memref<1024x64xf32, #tpu.memory_space<hbm>>) dst(%dma_wait3A_84 : memref<128x64xf32, #tpu.memory_space<vmem>>)
    %dma_wait3A_91 = arith.constant 1 : i32
    %dma_wait3A_92 = arith.constant 1 : i32
    %dma_wait3A_93 = arith.constant 0 : i32
    %dma_wait3A_94 = arith.constant 0 : i32
    %dma_wait3A_95 = tpu.memref_slice %arg6[%dma_wait3A_92, %dma_wait3A_93, %dma_wait3A_94] : memref<4x128x64xf32, #tpu.memory_space<vmem>> -> memref<1x128x64xf32, #tpu.memory_space<vmem>>
    %dma_wait3A_96 = tpu.memref_squeeze %dma_wait3A_95 : memref<1x128x64xf32, #tpu.memory_space<vmem>> -> memref<128x64xf32, #tpu.memory_space<vmem>>
    %dma_wait3A_97 = arith.constant 0 : i32
    %dma_wait3A_98 = tpu.memref_slice %arg5[%dma_wait3A_91, %dma_wait3A_97] : memref<4x128xi32, #tpu.memory_space<vmem>> -> memref<1x128xi32, #tpu.memory_space<vmem>>
    %dma_wait3A_99 = tpu.memref_squeeze %dma_wait3A_98 : memref<1x128xi32, #tpu.memory_space<vmem>> -> memref<128xi32, #tpu.memory_space<vmem>>
    %dma_wait3A_100 = arith.constant 0 : i32
    %dma_wait3A_101 = arith.constant 0 : i32
    %dma_wait3A_102 = tpu.memref_slice %arg2[%dma_wait3A_100, %dma_wait3A_101] : memref<1024x64xf32, #tpu.memory_space<hbm>> -> memref<1024x64xf32, #tpu.memory_space<hbm>>
    tpu.wait_indirect_dma semaphore(%arg7 : memref<!tpu.dma_semaphore, #tpu.memory_space<semaphore_mem>>) src(%dma_wait3A_102 : memref<1024x64xf32, #tpu.memory_space<hbm>>) dst(%dma_wait3A_96 : memref<128x64xf32, #tpu.memory_space<vmem>>)
    %dma_wait3A_103 = arith.constant 2 : i32
    %dma_wait3A_104 = arith.constant 2 : i32
    %dma_wait3A_105 = arith.constant 0 : i32
    %dma_wait3A_106 = arith.constant 0 : i32
    %dma_wait3A_107 = tpu.memref_slice %arg6[%dma_wait3A_104, %dma_wait3A_105, %dma_wait3A_106] : memref<4x128x64xf32, #tpu.memory_space<vmem>> -> memref<1x128x64xf32, #tpu.memory_space<vmem>>
    %dma_wait3A_108 = tpu.memref_squeeze %dma_wait3A_107 : memref<1x128x64xf32, #tpu.memory_space<vmem>> -> memref<128x64xf32, #tpu.memory_space<vmem>>
    %dma_wait3A_109 = arith.constant 0 : i32
    %dma_wait3A_110 = tpu.memref_slice %arg5[%dma_wait3A_103, %dma_wait3A_109] : memref<4x128xi32, #tpu.memory_space<vmem>> -> memref<1x128xi32, #tpu.memory_space<vmem>>
    %dma_wait3A_111 = tpu.memref_squeeze %dma_wait3A_110 : memref<1x128xi32, #tpu.memory_space<vmem>> -> memref<128xi32, #tpu.memory_space<vmem>>
    %dma_wait3A_112 = arith.constant 0 : i32
    %dma_wait3A_113 = arith.constant 0 : i32
    %dma_wait3A_114 = tpu.memref_slice %arg2[%dma_wait3A_112, %dma_wait3A_113] : memref<1024x64xf32, #tpu.memory_space<hbm>> -> memref<1024x64xf32, #tpu.memory_space<hbm>>
    tpu.wait_indirect_dma semaphore(%arg7 : memref<!tpu.dma_semaphore, #tpu.memory_space<semaphore_mem>>) src(%dma_wait3A_114 : memref<1024x64xf32, #tpu.memory_space<hbm>>) dst(%dma_wait3A_108 : memref<128x64xf32, #tpu.memory_space<vmem>>)
    %dma_wait3A_115 = arith.constant 3 : i32
    %dma_wait3A_116 = arith.constant 3 : i32
    %dma_wait3A_117 = arith.constant 0 : i32
    %dma_wait3A_118 = arith.constant 0 : i32
    %dma_wait3A_119 = tpu.memref_slice %arg6[%dma_wait3A_116, %dma_wait3A_117, %dma_wait3A_118] : memref<4x128x64xf32, #tpu.memory_space<vmem>> -> memref<1x128x64xf32, #tpu.memory_space<vmem>>
    %dma_wait3A_120 = tpu.memref_squeeze %dma_wait3A_119 : memref<1x128x64xf32, #tpu.memory_space<vmem>> -> memref<128x64xf32, #tpu.memory_space<vmem>>
    %dma_wait3A_121 = arith.constant 0 : i32
    %dma_wait3A_122 = tpu.memref_slice %arg5[%dma_wait3A_115, %dma_wait3A_121] : memref<4x128xi32, #tpu.memory_space<vmem>> -> memref<1x128xi32, #tpu.memory_space<vmem>>
    %dma_wait3A_123 = tpu.memref_squeeze %dma_wait3A_122 : memref<1x128xi32, #tpu.memory_space<vmem>> -> memref<128xi32, #tpu.memory_space<vmem>>
    %dma_wait3A_124 = arith.constant 0 : i32
    %dma_wait3A_125 = arith.constant 0 : i32
    %dma_wait3A_126 = tpu.memref_slice %arg2[%dma_wait3A_124, %dma_wait3A_125] : memref<1024x64xf32, #tpu.memory_space<hbm>> -> memref<1024x64xf32, #tpu.memory_space<hbm>>
    tpu.wait_indirect_dma semaphore(%arg7 : memref<!tpu.dma_semaphore, #tpu.memory_space<semaphore_mem>>) src(%dma_wait3A_126 : memref<1024x64xf32, #tpu.memory_space<hbm>>) dst(%dma_wait3A_120 : memref<128x64xf32, #tpu.memory_space<vmem>>)
    %add3A_127 = arith.constant 0 : i32
    %add3A_128 = arith.addi %mul3A_32, %add3A_127 : i32
    %run_scoped3A = arith.constant 0 : i32
    "tpu.region"() ({
      %run_scoped3A_138 = tpu.sem_alloc : memref<!tpu.dma_semaphore, #tpu.memory_space<semaphore_mem>>
      %dma_start3A_139 = arith.constant 0 : i32
      %dma_start3A_140 = arith.constant 0 : i32
      %dma_start3A_141 = tpu.memref_slice %arg6[%run_scoped3A, %dma_start3A_139, %dma_start3A_140] : memref<4x128x64xf32, #tpu.memory_space<vmem>> -> memref<1x128x64xf32, #tpu.memory_space<vmem>>
      %dma_start3A_142 = tpu.memref_squeeze %dma_start3A_141 : memref<1x128x64xf32, #tpu.memory_space<vmem>> -> memref<128x64xf32, #tpu.memory_space<vmem>>
      %dma_start3A_143 = arith.constant 0 : i32
      %dma_start3A_144 = tpu.memref_slice %arg4[%select_n3A, %add3A_128, %dma_start3A_143] : memref<16x1024x64xf32, #tpu.memory_space<hbm>> -> memref<1x128x64xf32, #tpu.memory_space<hbm>>
      %dma_start3A_145 = tpu.memref_squeeze %dma_start3A_144 : memref<1x128x64xf32, #tpu.memory_space<hbm>> -> memref<128x64xf32, #tpu.memory_space<hbm>>
      %dma_start3A_146 = arith.constant 0 : i32
      %dma_start3A_147 = tpu.memref_slice %arg4[%select_n3A, %add3A_128, %dma_start3A_146] : memref<16x1024x64xf32, #tpu.memory_space<hbm>> -> memref<1x128x64xf32, #tpu.memory_space<hbm>>
      %dma_start3A_148 = tpu.memref_squeeze %dma_start3A_147 : memref<1x128x64xf32, #tpu.memory_space<hbm>> -> memref<128x64xf32, #tpu.memory_space<hbm>>
      %dma_start3A_149 = arith.constant 0 : i32
      %dma_start3A_150 = arith.constant 0 : i32
      %dma_start3A_151 = tpu.memref_slice %arg6[%run_scoped3A, %dma_start3A_149, %dma_start3A_150] : memref<4x128x64xf32, #tpu.memory_space<vmem>> -> memref<1x128x64xf32, #tpu.memory_space<vmem>>
      %dma_start3A_152 = tpu.memref_squeeze %dma_start3A_151 : memref<1x128x64xf32, #tpu.memory_space<vmem>> -> memref<128x64xf32, #tpu.memory_space<vmem>>
      tpu.enqueue_dma source(%dma_start3A_152 : memref<128x64xf32, #tpu.memory_space<vmem>>) target(%dma_start3A_148 : memref<128x64xf32, #tpu.memory_space<hbm>>) target_semaphore(%run_scoped3A_138 : memref<!tpu.dma_semaphore, #tpu.memory_space<semaphore_mem>>)
      %dma_wait3A_153 = arith.constant 0 : i32
      %dma_wait3A_154 = arith.constant 0 : i32
      %dma_wait3A_155 = tpu.memref_slice %arg6[%run_scoped3A, %dma_wait3A_153, %dma_wait3A_154] : memref<4x128x64xf32, #tpu.memory_space<vmem>> -> memref<1x128x64xf32, #tpu.memory_space<vmem>>
      %dma_wait3A_156 = tpu.memref_squeeze %dma_wait3A_155 : memref<1x128x64xf32, #tpu.memory_space<vmem>> -> memref<128x64xf32, #tpu.memory_space<vmem>>
      %dma_wait3A_157 = arith.constant 0 : i32
      %dma_wait3A_158 = tpu.memref_slice %arg4[%select_n3A, %add3A_128, %dma_wait3A_157] : memref<16x1024x64xf32, #tpu.memory_space<hbm>> -> memref<1x128x64xf32, #tpu.memory_space<hbm>>
      %dma_wait3A_159 = tpu.memref_squeeze %dma_wait3A_158 : memref<1x128x64xf32, #tpu.memory_space<hbm>> -> memref<128x64xf32, #tpu.memory_space<hbm>>
      %dma_wait3A_160 = arith.constant 0 : i32
      %dma_wait3A_161 = tpu.memref_slice %arg4[%select_n3A, %add3A_128, %dma_wait3A_160] : memref<16x1024x64xf32, #tpu.memory_space<hbm>> -> memref<1x128x64xf32, #tpu.memory_space<hbm>>
      %dma_wait3A_162 = tpu.memref_squeeze %dma_wait3A_161 : memref<1x128x64xf32, #tpu.memory_space<hbm>> -> memref<128x64xf32, #tpu.memory_space<hbm>>
      %dma_wait3A_163 = arith.constant 0 : i32
      %dma_wait3A_164 = arith.constant 0 : i32
      %dma_wait3A_165 = tpu.memref_slice %arg6[%run_scoped3A, %dma_wait3A_163, %dma_wait3A_164] : memref<4x128x64xf32, #tpu.memory_space<vmem>> -> memref<1x128x64xf32, #tpu.memory_space<vmem>>
      %dma_wait3A_166 = tpu.memref_squeeze %dma_wait3A_165 : memref<1x128x64xf32, #tpu.memory_space<vmem>> -> memref<128x64xf32, #tpu.memory_space<vmem>>
      tpu.wait_dma2 semaphore(%run_scoped3A_138 : memref<!tpu.dma_semaphore, #tpu.memory_space<semaphore_mem>>) src(%dma_wait3A_166 : memref<128x64xf32, #tpu.memory_space<vmem>>) dst(%dma_wait3A_162 : memref<128x64xf32, #tpu.memory_space<hbm>>)
      tpu.yield
    }) : () -> ()
    %add3A_129 = arith.constant 128 : i32
    %add3A_130 = arith.addi %mul3A_32, %add3A_129 : i32
    %run_scoped3A_131 = arith.constant 1 : i32
    "tpu.region"() ({
      %run_scoped3A_138 = tpu.sem_alloc : memref<!tpu.dma_semaphore, #tpu.memory_space<semaphore_mem>>
      %dma_start3A_139 = arith.constant 0 : i32
      %dma_start3A_140 = arith.constant 0 : i32
      %dma_start3A_141 = tpu.memref_slice %arg6[%run_scoped3A_131, %dma_start3A_139, %dma_start3A_140] : memref<4x128x64xf32, #tpu.memory_space<vmem>> -> memref<1x128x64xf32, #tpu.memory_space<vmem>>
      %dma_start3A_142 = tpu.memref_squeeze %dma_start3A_141 : memref<1x128x64xf32, #tpu.memory_space<vmem>> -> memref<128x64xf32, #tpu.memory_space<vmem>>
      %dma_start3A_143 = arith.constant 0 : i32
      %dma_start3A_144 = tpu.memref_slice %arg4[%select_n3A, %add3A_130, %dma_start3A_143] : memref<16x1024x64xf32, #tpu.memory_space<hbm>> -> memref<1x128x64xf32, #tpu.memory_space<hbm>>
      %dma_start3A_145 = tpu.memref_squeeze %dma_start3A_144 : memref<1x128x64xf32, #tpu.memory_space<hbm>> -> memref<128x64xf32, #tpu.memory_space<hbm>>
      %dma_start3A_146 = arith.constant 0 : i32
      %dma_start3A_147 = tpu.memref_slice %arg4[%select_n3A, %add3A_130, %dma_start3A_146] : memref<16x1024x64xf32, #tpu.memory_space<hbm>> -> memref<1x128x64xf32, #tpu.memory_space<hbm>>
      %dma_start3A_148 = tpu.memref_squeeze %dma_start3A_147 : memref<1x128x64xf32, #tpu.memory_space<hbm>> -> memref<128x64xf32, #tpu.memory_space<hbm>>
      %dma_start3A_149 = arith.constant 0 : i32
      %dma_start3A_150 = arith.constant 0 : i32
      %dma_start3A_151 = tpu.memref_slice %arg6[%run_scoped3A_131, %dma_start3A_149, %dma_start3A_150] : memref<4x128x64xf32, #tpu.memory_space<vmem>> -> memref<1x128x64xf32, #tpu.memory_space<vmem>>
      %dma_start3A_152 = tpu.memref_squeeze %dma_start3A_151 : memref<1x128x64xf32, #tpu.memory_space<vmem>> -> memref<128x64xf32, #tpu.memory_space<vmem>>
      tpu.enqueue_dma source(%dma_start3A_152 : memref<128x64xf32, #tpu.memory_space<vmem>>) target(%dma_start3A_148 : memref<128x64xf32, #tpu.memory_space<hbm>>) target_semaphore(%run_scoped3A_138 : memref<!tpu.dma_semaphore, #tpu.memory_space<semaphore_mem>>)
      %dma_wait3A_153 = arith.constant 0 : i32
      %dma_wait3A_154 = arith.constant 0 : i32
      %dma_wait3A_155 = tpu.memref_slice %arg6[%run_scoped3A_131, %dma_wait3A_153, %dma_wait3A_154] : memref<4x128x64xf32, #tpu.memory_space<vmem>> -> memref<1x128x64xf32, #tpu.memory_space<vmem>>
      %dma_wait3A_156 = tpu.memref_squeeze %dma_wait3A_155 : memref<1x128x64xf32, #tpu.memory_space<vmem>> -> memref<128x64xf32, #tpu.memory_space<vmem>>
      %dma_wait3A_157 = arith.constant 0 : i32
      %dma_wait3A_158 = tpu.memref_slice %arg4[%select_n3A, %add3A_130, %dma_wait3A_157] : memref<16x1024x64xf32, #tpu.memory_space<hbm>> -> memref<1x128x64xf32, #tpu.memory_space<hbm>>
      %dma_wait3A_159 = tpu.memref_squeeze %dma_wait3A_158 : memref<1x128x64xf32, #tpu.memory_space<hbm>> -> memref<128x64xf32, #tpu.memory_space<hbm>>
      %dma_wait3A_160 = arith.constant 0 : i32
      %dma_wait3A_161 = tpu.memref_slice %arg4[%select_n3A, %add3A_130, %dma_wait3A_160] : memref<16x1024x64xf32, #tpu.memory_space<hbm>> -> memref<1x128x64xf32, #tpu.memory_space<hbm>>
      %dma_wait3A_162 = tpu.memref_squeeze %dma_wait3A_161 : memref<1x128x64xf32, #tpu.memory_space<hbm>> -> memref<128x64xf32, #tpu.memory_space<hbm>>
      %dma_wait3A_163 = arith.constant 0 : i32
      %dma_wait3A_164 = arith.constant 0 : i32
      %dma_wait3A_165 = tpu.memref_slice %arg6[%run_scoped3A_131, %dma_wait3A_163, %dma_wait3A_164] : memref<4x128x64xf32, #tpu.memory_space<vmem>> -> memref<1x128x64xf32, #tpu.memory_space<vmem>>
      %dma_wait3A_166 = tpu.memref_squeeze %dma_wait3A_165 : memref<1x128x64xf32, #tpu.memory_space<vmem>> -> memref<128x64xf32, #tpu.memory_space<vmem>>
      tpu.wait_dma2 semaphore(%run_scoped3A_138 : memref<!tpu.dma_semaphore, #tpu.memory_space<semaphore_mem>>) src(%dma_wait3A_166 : memref<128x64xf32, #tpu.memory_space<vmem>>) dst(%dma_wait3A_162 : memref<128x64xf32, #tpu.memory_space<hbm>>)
      tpu.yield
    }) : () -> ()
    %add3A_132 = arith.constant 256 : i32
    %add3A_133 = arith.addi %mul3A_32, %add3A_132 : i32
    %run_scoped3A_134 = arith.constant 2 : i32
    "tpu.region"() ({
      %run_scoped3A_138 = tpu.sem_alloc : memref<!tpu.dma_semaphore, #tpu.memory_space<semaphore_mem>>
      %dma_start3A_139 = arith.constant 0 : i32
      %dma_start3A_140 = arith.constant 0 : i32
      %dma_start3A_141 = tpu.memref_slice %arg6[%run_scoped3A_134, %dma_start3A_139, %dma_start3A_140] : memref<4x128x64xf32, #tpu.memory_space<vmem>> -> memref<1x128x64xf32, #tpu.memory_space<vmem>>
      %dma_start3A_142 = tpu.memref_squeeze %dma_start3A_141 : memref<1x128x64xf32, #tpu.memory_space<vmem>> -> memref<128x64xf32, #tpu.memory_space<vmem>>
      %dma_start3A_143 = arith.constant 0 : i32
      %dma_start3A_144 = tpu.memref_slice %arg4[%select_n3A, %add3A_133, %dma_start3A_143] : memref<16x1024x64xf32, #tpu.memory_space<hbm>> -> memref<1x128x64xf32, #tpu.memory_space<hbm>>
      %dma_start3A_145 = tpu.memref_squeeze %dma_start3A_144 : memref<1x128x64xf32, #tpu.memory_space<hbm>> -> memref<128x64xf32, #tpu.memory_space<hbm>>
      %dma_start3A_146 = arith.constant 0 : i32
      %dma_start3A_147 = tpu.memref_slice %arg4[%select_n3A, %add3A_133, %dma_start3A_146] : memref<16x1024x64xf32, #tpu.memory_space<hbm>> -> memref<1x128x64xf32, #tpu.memory_space<hbm>>
      %dma_start3A_148 = tpu.memref_squeeze %dma_start3A_147 : memref<1x128x64xf32, #tpu.memory_space<hbm>> -> memref<128x64xf32, #tpu.memory_space<hbm>>
      %dma_start3A_149 = arith.constant 0 : i32
      %dma_start3A_150 = arith.constant 0 : i32
      %dma_start3A_151 = tpu.memref_slice %arg6[%run_scoped3A_134, %dma_start3A_149, %dma_start3A_150] : memref<4x128x64xf32, #tpu.memory_space<vmem>> -> memref<1x128x64xf32, #tpu.memory_space<vmem>>
      %dma_start3A_152 = tpu.memref_squeeze %dma_start3A_151 : memref<1x128x64xf32, #tpu.memory_space<vmem>> -> memref<128x64xf32, #tpu.memory_space<vmem>>
      tpu.enqueue_dma source(%dma_start3A_152 : memref<128x64xf32, #tpu.memory_space<vmem>>) target(%dma_start3A_148 : memref<128x64xf32, #tpu.memory_space<hbm>>) target_semaphore(%run_scoped3A_138 : memref<!tpu.dma_semaphore, #tpu.memory_space<semaphore_mem>>)
      %dma_wait3A_153 = arith.constant 0 : i32
      %dma_wait3A_154 = arith.constant 0 : i32
      %dma_wait3A_155 = tpu.memref_slice %arg6[%run_scoped3A_134, %dma_wait3A_153, %dma_wait3A_154] : memref<4x128x64xf32, #tpu.memory_space<vmem>> -> memref<1x128x64xf32, #tpu.memory_space<vmem>>
      %dma_wait3A_156 = tpu.memref_squeeze %dma_wait3A_155 : memref<1x128x64xf32, #tpu.memory_space<vmem>> -> memref<128x64xf32, #tpu.memory_space<vmem>>
      %dma_wait3A_157 = arith.constant 0 : i32
      %dma_wait3A_158 = tpu.memref_slice %arg4[%select_n3A, %add3A_133, %dma_wait3A_157] : memref<16x1024x64xf32, #tpu.memory_space<hbm>> -> memref<1x128x64xf32, #tpu.memory_space<hbm>>
      %dma_wait3A_159 = tpu.memref_squeeze %dma_wait3A_158 : memref<1x128x64xf32, #tpu.memory_space<hbm>> -> memref<128x64xf32, #tpu.memory_space<hbm>>
      %dma_wait3A_160 = arith.constant 0 : i32
      %dma_wait3A_161 = tpu.memref_slice %arg4[%select_n3A, %add3A_133, %dma_wait3A_160] : memref<16x1024x64xf32, #tpu.memory_space<hbm>> -> memref<1x128x64xf32, #tpu.memory_space<hbm>>
      %dma_wait3A_162 = tpu.memref_squeeze %dma_wait3A_161 : memref<1x128x64xf32, #tpu.memory_space<hbm>> -> memref<128x64xf32, #tpu.memory_space<hbm>>
      %dma_wait3A_163 = arith.constant 0 : i32
      %dma_wait3A_164 = arith.constant 0 : i32
      %dma_wait3A_165 = tpu.memref_slice %arg6[%run_scoped3A_134, %dma_wait3A_163, %dma_wait3A_164] : memref<4x128x64xf32, #tpu.memory_space<vmem>> -> memref<1x128x64xf32, #tpu.memory_space<vmem>>
      %dma_wait3A_166 = tpu.memref_squeeze %dma_wait3A_165 : memref<1x128x64xf32, #tpu.memory_space<vmem>> -> memref<128x64xf32, #tpu.memory_space<vmem>>
      tpu.wait_dma2 semaphore(%run_scoped3A_138 : memref<!tpu.dma_semaphore, #tpu.memory_space<semaphore_mem>>) src(%dma_wait3A_166 : memref<128x64xf32, #tpu.memory_space<vmem>>) dst(%dma_wait3A_162 : memref<128x64xf32, #tpu.memory_space<hbm>>)
      tpu.yield
    }) : () -> ()
    %add3A_135 = arith.constant 384 : i32
    %add3A_136 = arith.addi %mul3A_32, %add3A_135 : i32
    %run_scoped3A_137 = arith.constant 3 : i32
    "tpu.region"() ({
      %run_scoped3A_138 = tpu.sem_alloc : memref<!tpu.dma_semaphore, #tpu.memory_space<semaphore_mem>>
      %dma_start3A_139 = arith.constant 0 : i32
      %dma_start3A_140 = arith.constant 0 : i32
      %dma_start3A_141 = tpu.memref_slice %arg6[%run_scoped3A_137, %dma_start3A_139, %dma_start3A_140] : memref<4x128x64xf32, #tpu.memory_space<vmem>> -> memref<1x128x64xf32, #tpu.memory_space<vmem>>
      %dma_start3A_142 = tpu.memref_squeeze %dma_start3A_141 : memref<1x128x64xf32, #tpu.memory_space<vmem>> -> memref<128x64xf32, #tpu.memory_space<vmem>>
      %dma_start3A_143 = arith.constant 0 : i32
      %dma_start3A_144 = tpu.memref_slice %arg4[%select_n3A, %add3A_136, %dma_start3A_143] : memref<16x1024x64xf32, #tpu.memory_space<hbm>> -> memref<1x128x64xf32, #tpu.memory_space<hbm>>
      %dma_start3A_145 = tpu.memref_squeeze %dma_start3A_144 : memref<1x128x64xf32, #tpu.memory_space<hbm>> -> memref<128x64xf32, #tpu.memory_space<hbm>>
      %dma_start3A_146 = arith.constant 0 : i32
      %dma_start3A_147 = tpu.memref_slice %arg4[%select_n3A, %add3A_136, %dma_start3A_146] : memref<16x1024x64xf32, #tpu.memory_space<hbm>> -> memref<1x128x64xf32, #tpu.memory_space<hbm>>
      %dma_start3A_148 = tpu.memref_squeeze %dma_start3A_147 : memref<1x128x64xf32, #tpu.memory_space<hbm>> -> memref<128x64xf32, #tpu.memory_space<hbm>>
      %dma_start3A_149 = arith.constant 0 : i32
      %dma_start3A_150 = arith.constant 0 : i32
      %dma_start3A_151 = tpu.memref_slice %arg6[%run_scoped3A_137, %dma_start3A_149, %dma_start3A_150] : memref<4x128x64xf32, #tpu.memory_space<vmem>> -> memref<1x128x64xf32, #tpu.memory_space<vmem>>
      %dma_start3A_152 = tpu.memref_squeeze %dma_start3A_151 : memref<1x128x64xf32, #tpu.memory_space<vmem>> -> memref<128x64xf32, #tpu.memory_space<vmem>>
      tpu.enqueue_dma source(%dma_start3A_152 : memref<128x64xf32, #tpu.memory_space<vmem>>) target(%dma_start3A_148 : memref<128x64xf32, #tpu.memory_space<hbm>>) target_semaphore(%run_scoped3A_138 : memref<!tpu.dma_semaphore, #tpu.memory_space<semaphore_mem>>)
      %dma_wait3A_153 = arith.constant 0 : i32
      %dma_wait3A_154 = arith.constant 0 : i32
      %dma_wait3A_155 = tpu.memref_slice %arg6[%run_scoped3A_137, %dma_wait3A_153, %dma_wait3A_154] : memref<4x128x64xf32, #tpu.memory_space<vmem>> -> memref<1x128x64xf32, #tpu.memory_space<vmem>>
      %dma_wait3A_156 = tpu.memref_squeeze %dma_wait3A_155 : memref<1x128x64xf32, #tpu.memory_space<vmem>> -> memref<128x64xf32, #tpu.memory_space<vmem>>
      %dma_wait3A_157 = arith.constant 0 : i32
      %dma_wait3A_158 = tpu.memref_slice %arg4[%select_n3A, %add3A_136, %dma_wait3A_157] : memref<16x1024x64xf32, #tpu.memory_space<hbm>> -> memref<1x128x64xf32, #tpu.memory_space<hbm>>
      %dma_wait3A_159 = tpu.memref_squeeze %dma_wait3A_158 : memref<1x128x64xf32, #tpu.memory_space<hbm>> -> memref<128x64xf32, #tpu.memory_space<hbm>>
      %dma_wait3A_160 = arith.constant 0 : i32
      %dma_wait3A_161 = tpu.memref_slice %arg4[%select_n3A, %add3A_136, %dma_wait3A_160] : memref<16x1024x64xf32, #tpu.memory_space<hbm>> -> memref<1x128x64xf32, #tpu.memory_space<hbm>>
      %dma_wait3A_162 = tpu.memref_squeeze %dma_wait3A_161 : memref<1x128x64xf32, #tpu.memory_space<hbm>> -> memref<128x64xf32, #tpu.memory_space<hbm>>
      %dma_wait3A_163 = arith.constant 0 : i32
      %dma_wait3A_164 = arith.constant 0 : i32
      %dma_wait3A_165 = tpu.memref_slice %arg6[%run_scoped3A_137, %dma_wait3A_163, %dma_wait3A_164] : memref<4x128x64xf32, #tpu.memory_space<vmem>> -> memref<1x128x64xf32, #tpu.memory_space<vmem>>
      %dma_wait3A_166 = tpu.memref_squeeze %dma_wait3A_165 : memref<1x128x64xf32, #tpu.memory_space<vmem>> -> memref<128x64xf32, #tpu.memory_space<vmem>>
      tpu.wait_dma2 semaphore(%run_scoped3A_138 : memref<!tpu.dma_semaphore, #tpu.memory_space<semaphore_mem>>) src(%dma_wait3A_166 : memref<128x64xf32, #tpu.memory_space<vmem>>) dst(%dma_wait3A_162 : memref<128x64xf32, #tpu.memory_space<hbm>>)
      tpu.yield
    }) : () -> ()
    return
  }
}

module attributes {stable_mosaic.version = 14 : i64} {
  func.func @_vq_body(%arg0: i32, %arg1: memref<1x1024x64xf32, #tpu.memory_space<vmem>>, %arg2: memref<1024x64xf32, #tpu.memory_space<vmem>>, %arg3: memref<16x1024xf32, #tpu.memory_space<vmem>>, %arg4: memref<1x1024xf32, #tpu.memory_space<vmem>>, %arg5: memref<1x1024x1024xf32, #tpu.memory_space<vmem>>, %arg6: memref<16x1024xi32, #tpu.memory_space<vmem>>, %arg7: memref<1x1x1xf32, #tpu.memory_space<vmem>>) attributes {dimension_semantics = [#tpu.dimension_semantics<arbitrary>], iteration_bounds = array<i64: 16>, scalar_prefetch = 0 : i64, scratch_operands = 0 : i64, tpu.core_type = #tpu.core_type<tc>, window_params = [{transform_indices = @transform_0, window_bounds = array<i64: 1, 1024, 64>}, {pipeline_mode = #tpu.pipeline_mode<synchronous>, transform_indices = @transform_1, window_bounds = array<i64: 1024, 64>}, {pipeline_mode = #tpu.pipeline_mode<synchronous>, transform_indices = @transform_2, window_bounds = array<i64: 16, 1024>}, {pipeline_mode = #tpu.pipeline_mode<synchronous>, transform_indices = @transform_3, window_bounds = array<i64: 1, 1024>}, {transform_indices = @transform_4, window_bounds = array<i64: 1, 1024, 1024>}, {pipeline_mode = #tpu.pipeline_mode<synchronous>, transform_indices = @transform_5, window_bounds = array<i64: 16, 1024>}, {transform_indices = @transform_6, window_bounds = array<i64: 1, 1, 1>}]} {
    %get3A = arith.constant 0 : index
    %get3A_0 = arith.constant 0 : index
    %get3A_1 = arith.constant 0 : index
    %get3A_2 = vector.load %arg1[%get3A, %get3A_0, %get3A_1] : memref<1x1024x64xf32, #tpu.memory_space<vmem>>, vector<1x1024x64xf32>
    %get3A_3 = vector.shape_cast %get3A_2 : vector<1x1024x64xf32> to vector<1024x64xf32>
    %get3A_4 = arith.constant 0 : index
    %get3A_5 = arith.constant 0 : index
    %get3A_6 = vector.load %arg2[%get3A_4, %get3A_5] : memref<1024x64xf32, #tpu.memory_space<vmem>>, vector<1024x64xf32>
    %get3A_7 = arith.index_cast %arg0 : i32 to index
    %get3A_8 = arith.constant 0 : index
    %get3A_9 = vector.load %arg3[%get3A_7, %get3A_8] : memref<16x1024xf32, #tpu.memory_space<vmem>>, vector<1x1024xf32>
    %transpose3A = tpu.transpose %get3A_9, [1, 0] : vector<1x1024xf32> -> vector<1024x1xf32>
    %get3A_10 = arith.constant 0 : index
    %get3A_11 = arith.constant 0 : index
    %get3A_12 = vector.load %arg4[%get3A_10, %get3A_11] : memref<1x1024xf32, #tpu.memory_space<vmem>>, vector<1x1024xf32>
    %dot_general3A = arith.constant dense<0.000000e+00> : vector<1024x1024xf32>
    %dot_general3A_13 = tpu.matmul %get3A_3, %get3A_6, %dot_general3A {dimension_numbers = #tpu.dot_dimension_numbers<[1], [1], [0], [0], [0, 0, 1, 0], [], []>, transpose_lhs_hint = false} : vector<1024x64xf32>, vector<1024x64xf32>, vector<1024x1024xf32> -> vector<1024x1024xf32>
    %mul3A = arith.constant -2.000000e+00 : f32
    %mul3A_14 = vector.broadcast %mul3A : f32 to vector<1024x1024xf32>
    %mul3A_15 = arith.mulf %mul3A_14, %dot_general3A_13 : vector<1024x1024xf32>
    %add3A = vector.broadcast %transpose3A : vector<1024x1xf32> to vector<1024x1024xf32>
    %add3A_16 = arith.addf %mul3A_15, %add3A : vector<1024x1024xf32>
    %add3A_17 = vector.broadcast %get3A_12 : vector<1x1024xf32> to vector<1024x1024xf32>
    %add3A_18 = arith.addf %add3A_16, %add3A_17 : vector<1024x1024xf32>
    %reduce_min3A = arith.constant dense<0x7F800000> : vector<1024xf32>
    %reduce_min3A_19 = vector.multi_reduction <minimumf>, %add3A_18, %reduce_min3A [1] : vector<1024x1024xf32> to vector<1024xf32>
    %broadcast_in_dim3A = vector.shape_cast %reduce_min3A_19 : vector<1024xf32> to vector<1024x1xf32>
    %iota3A = tpu.iota {dimensions = array<i32: 1>} : vector<1024x1024xi32>
    %eq3A = vector.broadcast %broadcast_in_dim3A : vector<1024x1xf32> to vector<1024x1024xf32>
    %eq3A_20 = arith.cmpf oeq, %add3A_18, %eq3A : vector<1024x1024xf32>
    %jit3A = arith.constant 1024 : i32
    %broadcast_in_dim3A_21 = vector.broadcast %jit3A : i32 to vector<1024x1024xi32>
    %select_n3A = arith.select %eq3A_20, %iota3A, %broadcast_in_dim3A_21 : vector<1024x1024xi1>, vector<1024x1024xi32>
    %reduce_min3A_22 = arith.constant dense<2147483647> : vector<1024xi32>
    %reduce_min3A_23 = vector.multi_reduction <minsi>, %select_n3A, %reduce_min3A_22 [1] : vector<1024x1024xi32> to vector<1024xi32>
    %broadcast_in_dim3A_24 = vector.shape_cast %reduce_min3A_23 : vector<1024xi32> to vector<1024x1xi32>
    %rsqrt3A = math.rsqrt %transpose3A : vector<1024x1xf32>
    %mul3A_25 = vector.broadcast %rsqrt3A : vector<1024x1xf32> to vector<1024x1024xf32>
    %mul3A_26 = arith.mulf %dot_general3A_13, %mul3A_25 : vector<1024x1024xf32>
    %rsqrt3A_27 = math.rsqrt %get3A_12 : vector<1x1024xf32>
    %mul3A_28 = vector.broadcast %rsqrt3A_27 : vector<1x1024xf32> to vector<1024x1024xf32>
    %mul3A_29 = arith.mulf %mul3A_26, %mul3A_28 : vector<1024x1024xf32>
    %swap3A = arith.constant 0 : index
    %swap3A_30 = arith.constant 0 : index
    %swap3A_31 = arith.constant 0 : index
    %swap3A_32 = vector.load %arg5[%swap3A, %swap3A_30, %swap3A_31] : memref<1x1024x1024xf32, #tpu.memory_space<vmem>>, vector<1x1024x1024xf32>
    %swap3A_33 = vector.shape_cast %swap3A_32 : vector<1x1024x1024xf32> to vector<1024x1024xf32>
    %swap3A_34 = vector.shape_cast %mul3A_29 : vector<1024x1024xf32> to vector<1x1024x1024xf32>
    tpu.vector_store %arg5[%swap3A, %swap3A_30, %swap3A_31], %swap3A_34 {strides = array<i32>} : memref<1x1024x1024xf32, #tpu.memory_space<vmem>>, vector<1x1024x1024xf32>,
    %transpose3A_35 = tpu.transpose %broadcast_in_dim3A_24, [1, 0] : vector<1024x1xi32> -> vector<1x1024xi32>
    %swap3A_36 = arith.index_cast %arg0 : i32 to index
    %swap3A_37 = arith.constant 0 : index
    %swap3A_38 = vector.load %arg6[%swap3A_36, %swap3A_37] : memref<16x1024xi32, #tpu.memory_space<vmem>>, vector<1x1024xi32>
    tpu.vector_store %arg6[%swap3A_36, %swap3A_37], %transpose3A_35 {strides = array<i32>} : memref<16x1024xi32, #tpu.memory_space<vmem>>, vector<1x1024xi32>,
    %max3A = arith.constant 0.000000e+00 : f32
    %max3A_39 = vector.broadcast %max3A : f32 to vector<1024x1xf32>
    %max3A_40 = arith.maximumf %broadcast_in_dim3A, %max3A_39 : vector<1024x1xf32>
    %sqrt3A = math.sqrt %max3A_40 : vector<1024x1xf32>
    %reduce_sum3A = arith.constant dense<0.000000e+00> : vector<1xf32>
    %reduce_sum3A_41 = vector.multi_reduction <add>, %sqrt3A, %reduce_sum3A [0] : vector<1024x1xf32> to vector<1xf32>
    %broadcast_in_dim3A_42 = vector.shape_cast %reduce_sum3A_41 : vector<1xf32> to vector<1x1xf32>
    %swap3A_43 = arith.constant 0 : index
    %swap3A_44 = arith.constant 0 : index
    %swap3A_45 = arith.constant 0 : index
    %swap3A_46 = vector.load %arg7[%swap3A_43, %swap3A_44, %swap3A_45] : memref<1x1x1xf32, #tpu.memory_space<vmem>>, vector<1x1x1xf32>
    %swap3A_47 = vector.shape_cast %swap3A_46 : vector<1x1x1xf32> to vector<1x1xf32>
    %swap3A_48 = vector.shape_cast %broadcast_in_dim3A_42 : vector<1x1xf32> to vector<1x1x1xf32>
    tpu.vector_store %arg7[%swap3A_43, %swap3A_44, %swap3A_45], %swap3A_48 {strides = array<i32>} : memref<1x1x1xf32, #tpu.memory_space<vmem>>, vector<1x1x1xf32>,
    return
  }
  func.func @transform_0(%arg0: i32) -> (i32, i32, i32) {
    %c0_i32 = arith.constant 0 : i32
    %c0_i32_0 = arith.constant 0 : i32
    %c0_i32_1 = arith.constant 0 : i32
    return %arg0, %c0_i32, %c0_i32_0 : i32, i32, i32
  }
  func.func @transform_1(%arg0: i32) -> (i32, i32) {
    %c0_i32 = arith.constant 0 : i32
    %c0_i32_0 = arith.constant 0 : i32
    %c0_i32_1 = arith.constant 0 : i32
    return %c0_i32, %c0_i32_0 : i32, i32
  }
  func.func @transform_2(%arg0: i32) -> (i32, i32) {
    %c0_i32 = arith.constant 0 : i32
    %c0_i32_0 = arith.constant 0 : i32
    %c0_i32_1 = arith.constant 0 : i32
    return %c0_i32, %c0_i32_0 : i32, i32
  }
  func.func @transform_3(%arg0: i32) -> (i32, i32) {
    %c0_i32 = arith.constant 0 : i32
    %c0_i32_0 = arith.constant 0 : i32
    %c0_i32_1 = arith.constant 0 : i32
    return %c0_i32, %c0_i32_0 : i32, i32
  }
  func.func @transform_4(%arg0: i32) -> (i32, i32, i32) {
    %c0_i32 = arith.constant 0 : i32
    %c0_i32_0 = arith.constant 0 : i32
    %c0_i32_1 = arith.constant 0 : i32
    return %arg0, %c0_i32, %c0_i32_0 : i32, i32, i32
  }
  func.func @transform_5(%arg0: i32) -> (i32, i32) {
    %c0_i32 = arith.constant 0 : i32
    %c0_i32_0 = arith.constant 0 : i32
    %c0_i32_1 = arith.constant 0 : i32
    return %c0_i32, %c0_i32_0 : i32, i32
  }
  func.func @transform_6(%arg0: i32) -> (i32, i32, i32) {
    %c0_i32 = arith.constant 0 : i32
    %c0_i32_0 = arith.constant 0 : i32
    %c0_i32_1 = arith.constant 0 : i32
    return %arg0, %c0_i32, %c0_i32_0 : i32, i32, i32
  }
}

</mosaic_0001>

<sc_bundles>
// kernel: kernel.4.cloned.1.call-start
scs
__scs_entry_jumppad:
0x0: {  	(pc) =	sbr.rel $0x88, $3  }
0x1: {  	(tag) =	ssettag $0x0;
	lr =	simm.s32 $0x1  }
0x2: {  	[smem:$0x3F9F] =	sst lr;
	_ =	strace $0xD0000000  }
0x3: {  	_ = 	snop  }
0x4: {  	_ = 	snop  }
0x5: {  	_ = 	snop  }
0x6: {  	_ = 	snop  }
0x7: {  	_ = 	snop  }
__scs_overlays_trampoline_lowered:
0x8: {  	[smem:$0x3FAE] =	sst s0  }
0x9: {  	[smem:$0x3FAF] =	sst s1  }
0xa: {  	[smem:$0x3FB0] =	sst s2  }
0xb: {  	[smem:$0x3FB1] =	sst s3  }
0xc: {  	[smem:$0x3FB2] =	sst s4  }
0xd: {  	[smem:$0x3FB3] =	sst s5  }
0xe: {  	[smem:$0x3FB4] =	sst s6  }
0xf: {  	[smem:$0x3FB5] =	sst s7  }
0x10: {  	[smem:$0x3FB6] =	sst s8  }
0x11: {  	[smem:$0x3FB7] =	sst s9;
	s0 =	simm.s32 @!p0 $0x0  }
0x12: {  	s1 =	sld [smem:$0x3F9D];
	s0 =	simm.s32 @p0 $0x1  }
0x13: {  	[smem:$0x3FB8] =	sst s0;
	s0 =	simm.s32 @!p1 $0x0  }
0x14: {  	s2 =	sld [smem:$0x3F9C];
	s0 =	simm.s32 @p1 $0x1  }
0x15: {  	[smem:$0x3FB9] =	sst s0;
	s0 =	simm.s32 @!p2 $0x0  }
0x16: {  	s3 =	sld [smem:$0x3FDB];
	s0 =	simm.s32 @p2 $0x1  }
0x17: {  	s4 =	simm.s32 $0x1BF5;
	[smem:$0x3FBB] =	sst s0  }
0x18: {  	s0 =	sld [smem:$0x3F9E];
	_ =	swait.ge [sflag:s4], $0x0  }
0x19: {  	s7 =	sld [smem:$0x3F9F]  }
0x1a: {  	s8 =	sadd.s32 $0xFFFFE003, lr  }
0x1b: {  	s9 =	sadd.s32 $0xFFFFFEF7, lr;
	s5 =	simm.s32 $0xFFFFFFFF;
	p2 =	slt.u32 s8, $0xFFFFF086  }
0x1c: {  	p1 =	slt.u32 s9, $0xF7A;
	s5 =	simm.s32 @!p2 $0x0  }
0x1d: {  	s5 =	simm.s32 @p1 $0x1;
	p0 =	seq.s32 s7, s2  }
0x1e: {  	s7 =	smul.u32 @!p0 $0xF7A, s2;
	p2 =	seq.s32 @!p0 s5, $0x0  }
0x1f: {  	s9 =	smul.u32 $0xF7A, s1;
	s8 =	simm.s32 @!p0 $0x1BF5;
	p2 =	por !p2, p0  }
0x20: {  	[sflag:s8] =	ssyncset.s32 @!p0 $0xFFFFF086;
	s6 =	sadd.s32 @!p0 s3, s7;
	s7 =	simm.s32 @!p0 $0x108  }
0x21: {  	s3 =	sadd.s32 s3, s9;
	s6 =	sadd.s32 @!p0 $0x88, s6;
	s7 =	simm.s32 @p2 $0x1082  }
0x22: {  	[simem:s7], [sflag:s8] =	dma.local @!p0 [hbm:s6], $0xF7A  }
0x23: {  	s9 =	sor.u32 $0xD0000000, s2;
	s6 =	simm.s32 $0x108;
	_ =	swait.ge @!p0 [sflag:s8], $0x0  }
0x24: {  	s3 =	sadd.s32 $0x88, s3;
	s6 =	simm.s32 @!p1 $0x1082;
	[sflag:s4] =	ssyncset.s32 $0xFFFFF086  }
0x25: {  	[simem:s6], [sflag:s4] =	dma.local [hbm:s3], $0xF7A  }
0x26: {  	[smem:$0x3F9F] =	sst s1;
	(tag) =	ssettag s2;
	_ =	strace s9  }
0x27: {  	s1 =	sld [smem:$0x3FAF]  }
0x28: {  	s2 =	sld [smem:$0x3FB0]  }
0x29: {  	s4 =	sld [smem:$0x3FB2]  }
0x2a: {  	p0 =	seq.s32 s5, $0x0;
	s5 =	sld [smem:$0x3FB3]  }
0x2b: {  	s6 =	sld [smem:$0x3FB4]  }
0x2c: {  	s7 =	sld [smem:$0x3FB5]  }
0x2d: {  	s3 =	simm.s32 $0x108;
	s8 =	sld [smem:$0x3FB6]  }
0x2e: {  	s3 =	simm.s32 @!p0 $0x1082;
	s9 =	sld [smem:$0x3FB7]  }
0x2f: {  	lr =	sadd.s32 s0, s3;
	s0 =	sld [smem:$0x3FAE]  }
0x30: {  	s3 =	sld [smem:$0x3FB1]  }
0x31: {  	[smem:$0x3FBA] =	sst s10  }
0x32: {  	s10 =	sld [smem:$0x3FB8];
	_ =	sdelay $0x3  }
0x33: {  	p0 =	seq.s32 s10, $0x1;
	s10 =	sld [smem:$0x3FBA];
	_ =	sdelay $0x3  }
0x34: {  	[smem:$0x3FBA] =	sst s10  }
0x35: {  	s10 =	sld [smem:$0x3FB9];
	_ =	sdelay $0x3  }
0x36: {  	p1 =	seq.s32 s10, $0x1;
	s10 =	sld [smem:$0x3FBA];
	_ =	sdelay $0x3  }
0x37: {  	[smem:$0x3FBA] =	sst s10  }
0x38: {  	s10 =	sld [smem:$0x3FBB]  }
0x39: {  	_ = 	snop;
	(pc) =	sbr.ind lr, $3  }
0x3a: {  	_ = 	snop  }
0x3b: {  	_ = 	snop  }
0x3c: {  	p2 =	seq.s32 s10, $0x1;
	s10 =	sld [smem:$0x3FBA]  }
0x3d: {  	_ =	shalt  }
0x3e: {  	_ =	shalt  }
0x3f: {  	_ =	shalt  }
0x40: {  	_ =	shalt  }
0x41: {  	_ =	shalt  }
0x42: {  	_ =	shalt  }
0x43: {  	_ =	shalt  }
0x44: {  	_ =	shalt  }
0x45: {  	_ =	shalt  }
0x46: {  	_ =	shalt  }
0x47: {  	_ =	shalt  }
0x48: {  	_ =	shalt  }
0x49: {  	_ =	shalt  }
0x4a: {  	_ =	shalt  }
0x4b: {  	_ =	shalt  }
0x4c: {  	_ =	shalt  }
0x4d: {  	_ =	shalt  }
0x4e: {  	_ =	shalt  }
0x4f: {  	_ =	shalt  }
0x50: {  	_ =	shalt  }
0x51: {  	_ =	shalt  }
0x52: {  	_ =	shalt  }
0x53: {  	_ =	shalt  }
0x54: {  	_ =	shalt  }
0x55: {  	_ =	shalt  }
0x56: {  	_ =	shalt  }
0x57: {  	_ =	shalt  }
0x58: {  	_ =	shalt  }
0x59: {  	_ =	shalt  }
0x5a: {  	_ =	shalt  }
0x5b: {  	_ =	shalt  }
0x5c: {  	_ =	shalt  }
0x5d: {  	_ =	shalt  }
0x5e: {  	_ =	shalt  }
0x5f: {  	_ =	shalt  }
0x60: {  	_ =	shalt  }
0x61: {  	_ =	shalt  }
0x62: {  	_ =	shalt  }
0x63: {  	_ =	shalt  }
0x64: {  	_ =	shalt  }
0x65: {  	_ =	shalt  }
0x66: {  	_ =	shalt  }
0x67: {  	_ =	shalt  }
0x68: {  	_ =	shalt  }
0x69: {  	_ =	shalt  }
0x6a: {  	_ =	shalt  }
0x6b: {  	_ =	shalt  }
0x6c: {  	_ =	shalt  }
0x6d: {  	_ =	shalt  }
0x6e: {  	_ =	shalt  }
0x6f: {  	_ =	shalt  }
0x70: {  	_ =	shalt  }
0x71: {  	_ =	shalt  }
0x72: {  	_ =	shalt  }
0x73: {  	_ =	shalt  }
0x74: {  	_ =	shalt  }
0x75: {  	_ =	shalt  }
0x76: {  	_ =	shalt  }
0x77: {  	_ =	shalt  }
0x78: {  	_ =	shalt  }
0x79: {  	_ =	shalt  }
0x7a: {  	_ =	shalt  }
0x7b: {  	_ =	shalt  }
0x7c: {  	_ =	shalt  }
0x7d: {  	_ =	shalt  }
0x7e: {  	_ =	shalt  }
0x7f: {  	_ =	shalt  }
0x80: {  	_ =	shalt  }
0x81: {  	_ =	shalt  }
0x82: {  	_ =	shalt  }
0x83: {  	_ =	shalt  }
0x84: {  	_ =	shalt  }
0x85: {  	_ =	shalt  }
0x86: {  	_ =	shalt  }
0x87: {  	_ =	shalt  }
.Lfunc_end0:
.L_simem_size_0:
called_computation_lowered:
.L_overlay_start_0:
0x88: {  	s2 =	sld [smem:$0x3FD9]  }
0x89: {  	s3 =	sld [smem:$0x3FFE];
	_ =	sdelay $0x1  }
0x8a: {  	s1 =	srdreg.scid  }
0x8b: {  	s0 =	sand.u32 $0x1, s1  }
0x8c: {  	s14 =	sshll.u32 s0, $0xA;
	s2 =	sadd.s32 s3, s2  }
0x8d: {  	s2 =	sadd.s32 s2, s14  }
0x8e: {  	[smem:$0x3FC6] =	sst s2  }
0x8f: {  	_ = 	snop  }
0x90: {  	s2 =	sld [smem:$0x3FD0];
	_ =	sdelay $0x2  }
0x91: {  	s15 =	simm.s32 $0xA;
	s4 =	simm.s32 $0x10  }
0x92: {  	[smem:s4], [sflag:s15] =	dma.local [hbm:s2], $0x1  }
0x93: {  	_ =	swait.eq [sflag:s15], $0x1  }
0x94: {  	[sflag:s15] =	ssyncset.done $0x0  }
0x95: {  	[sflag:s15] =	ssyncadd.s32 $0xFFFFFFFF  }
0x96: {  	s16 =	sld [smem:$0x10];
	(tm) =	ssettm $0x1  }
0x97: {  	s17 =	sld [smem:$0x3FFB];
	_ =	sdelay $0x3  }
0x98: {  	_ =	strace s17  }
0x99: {  	s3 =	sld [smem:$0x3FFC];
	_ =	sdelay $0x3  }
0x9a: {  	_ =	strace s3  }
0x9b: {  	s3 =	sld [smem:$0x3FFD];
	_ =	sdelay $0x3  }
0x9c: {  	_ =	strace s3  }
0x9d: {  	_ =	strace $0x8FFFFFFF  }
0x9e: {  	s18 =	sld [smem:$0x3FDB];
	_ =	sdelay $0x1  }
0x9f: {  	s19 =	simm.s32 $_scs_section_size  }
0xa0: {  	s5 =	simm.s32 $_size__tile_overlayer_lowered;
	s6 =	simm.s32 $_tile_overlayer_lowered  }
0xa1: {  	s22 =	simm.s32 $0x1BFF;
	s21 =	sshll.u32 s6, $0x1;
	s3 =	sadd.s32 s19, s18  }
0xa2: {  	s7 =	simm.s32 $0x0;
	s20 =	sshll.u32 s5, $0x1;
	s5 =	sadd.s32 s21, s3  }
0xa3: {  	[timem:s7], [sflag:s22] =	dma.local [hbm:s5], s20  }
0xa4: {  	_ =	swait.ge [sflag:s22], s20  }
0xa5: {  	s4 =	ssub.s32 $0x0, s20;
	[sflag:s22] =	ssyncset.done $0x0  }
0xa6: {  	[sflag:s22] =	ssyncadd.s32 s4;
	_ =	sdelay $0x1  }
0xa7: {  	s23 =	simm.s32 $0x1B8B  }
0xa8: {  	_ =	swait.ge [sflag:s23], $0x1  }
0xa9: {  	[sflag:s23] =	ssyncset.done $0x0  }
0xaa: {  	s25 =	simm.s32 $0x1B8E;
	s24 =	sld [smem:$0x3FFE];
	[sflag:s23] =	ssyncadd.s32 $0xFFFFFFFF  }
0xab: {  	s26 =	simm.s32 $execute0_lowered;
	[smem:$0x3FD2] =	sst s25  }
0xac: {  	s5 =	sshll.u32 s26, $0x1;
	_ =	strace $0x80000046;
	[dreg:$0x1] =	wrdreg $0xFFFFFFFF  }
0xad: {  	s28 =	simm.s32 $_size_execute0_lowered;
	s3 =	sadd.s32 s3, s5;
	[dreg:$0x0] =	wrdreg $0x0  }
0xae: {  	s5 =	sshll.u32 s28, $0x1;
	[dreg:$0x2] =	wrdreg s3  }
0xaf: {  	[dreg:$0x3] =	wrdreg s5  }
0xb0: {  	[dreg:$0x4] =	wrdreg $0xC0  }
0xb1: {  	_ =	task [dreg:s7], $0x5FFFF  }
0xb2: {  	[dreg:$0x1] =	wrdreg $0xFFFFFFFF  }
0xb3: {  	[dreg:$0x0] =	wrdreg $0x60  }
0xb4: {  	[dreg:$0x2] =	wrdreg s24  }
0xb5: {  	[dreg:$0x3] =	wrdreg s16  }
0xb6: {  	[dreg:$0x4] =	wrdreg $0x9  }
0xb7: {  	_ =	task.clear_ibuf [dreg:s7], $0x5FFFF;
	_ =	strace $0x90000046  }
0xb8: {  	s29 =	simm.s32 $0x9;
	_ =	strace $0x80000048  }
0xb9: {  	_ =	swait.ge [sflag:s29], $0x1  }
0xba: {  	[sflag:s29] =	ssyncadd.s32 $0xFFFFFFFF  }
0xbb: {  	_ =	strace $0x90000048  }
0xbc: {  	_ =	sfence  }
0xbd: {  	s30 =	sld [smem:$0x0];
	_ =	sdelay $0x2  }
0xbe: {  	s31 =	sshll.u32 s1, $0xD;
	s1 =	sshrl.u32 s1, $0x2  }
0xbf: {  	s3 =	sand.u32 $0x4000, s31;
	s1 =	sadd.s32 s1, s30  }
0xc0: {  	s0 =	sor.u32 s3, s0;
	s1 =	sshll.u32 s1, $0x11  }
0xc1: {  	s0 =	sor.u32 s1, s0  }
0xc2: {  	s0 =	sadd.s32 $0x8F2B, s0  }
0xc3: {  	[sflag:s0] =	ssyncadd.remote.s32 $0x1  }
0xc4: {  	_ =	sfence.sel $0xFFFF  }
0xc5: {  	[dreg:$0x0] =	wrdreg $0xFFFFFFFF;
	(pc) =	sbr.abs _section_cstart, $3  }
0xc6: {  	[dreg:$0x1] =	wrdreg $0xFFFFFFFF  }
0xc7: {  	_ =	task.clear_ibuf [dreg:s7], $0x2FFFF;
	_ =	strace $0x9FFFFFFF  }
0xc8: {  	(tm) =	ssettm $0x7FFFFFFF  }
0xc9: {  	_ =	shalt  }
tec
execute0_lowered:
.L_overlay_start_1:
0x0: {  	(tag) =	ssettag $0x1  }
0x1: {  	s1 =	srdreg.scid;
	s0 =	stileid.u32  }
0x2: {  	s2 =	rddreg [dreg:$0x0];
	s16 =	sand.u32 $0x1, s1;
	s30 =	sshll.u32 s0, $0x1  }
0x3: {  	s14 =	rddreg [dreg:$0x1];
	s15 =	sor.u32 s16, s30  }
0x4: {  	s3 =	simm.s32 $0x0;
	s1 =	rddreg [dreg:$0x2];
	s4 =	sshll.u32 s15, $0x6  }
0x5: {  	[smem:$0x7FF] =	sst s3;
	s4 =	sadd.s32 s4, s2  }
0x6: {  	_ =	strace $0x80000047;
	s5 =	sadd.s32 $0x2000, s4;
	s4 =	simm.s32 $0x2  }
0x7: {  	[tilespmem:s3], [sflag:$0x2] =	stream.linear.gather [hbm4b:s5+s3], $0x200, $0x38;
	[tilespmem:$0x8200] =	vst v63  }
0x8: {  	_ =	swait.ge [sflag:s4], $0x200  }
0x9: {  	[sflag:s4] =	ssyncset.done $0x0  }
0xa: {  	s6 =	simm.s32 $0x80;
	s7 =	simm.s32 $0x200;
	[sflag:s4] =	ssyncadd.s32 $0xFFFFFE00  }
0xb: {  	[tilespmem:s7], [sflag:$0x1] =	stream.indirect.gather [hbm4b:s2+s6], $0x40, s3, s6, $0xb8;
	[tilespmem:$0x8200] =	vst v63  }
0xc: {  	s8 =	simm.s32 $0x2200  }
0xd: {  	[tilespmem:s8], [sflag:$0x1] =	stream.indirect.gather [hbm4b:s2+s6], $0x40, s6, s6, $0xb8;
	[tilespmem:$0x8200] =	vst v63  }
0xe: {  	s9 =	simm.s32 $0x100;
	s10 =	simm.s32 $0x4200  }
0xf: {  	[tilespmem:s10], [sflag:$0x1] =	stream.indirect.gather [hbm4b:s2+s6], $0x40, s9, s6, $0xb8;
	[tilespmem:$0x8200] =	vst v63  }
0x10: {  	s11 =	simm.s32 $0x1;
	s12 =	simm.s32 $0x180;
	s13 =	simm.s32 $0x6200  }
0x11: {  	[tilespmem:s13], [sflag:$0x1] =	stream.indirect.gather [hbm4b:s2+s6], $0x40, s12, s6, $0xb8;
	[tilespmem:$0x8200] =	vst v63  }
0x12: {  	_ =	swait.ge [sflag:s11], $0x2000  }
0x13: {  	[sflag:s11] =	ssyncset.done $0x0  }
0x14: {  	[sflag:s11] =	ssyncadd.s32 $0xFFFFE000  }
0x15: {  	p1 =	seq.s32 s16, $0x1;
	p0 =	seq.s32 s15, $0x0;
	_ =	swait.ge [sflag:s11], $0x2000  }
0x16: {  	p0 =	por !p0, !p1;
	[sflag:s11] =	ssyncset.done $0x0  }
0x17: {  	s15 =	simm.s32 $0x1;
	p0 =	por !p0, !p0;
	[sflag:s11] =	ssyncadd.s32 $0xFFFFE000  }
0x18: {  	s15 =	simm.s32 @!p0 $0x0;
	_ =	swait.ge [sflag:s11], $0x2000  }
0x19: {  	s15 =	ssub.s32 s0, s15;
	[sflag:s11] =	ssyncset.done $0x0  }
0x1a: {  	s17 =	sshll.u32 s16, $0xF;
	s15 =	sshll.u32 s15, $0x10;
	[sflag:s11] =	ssyncadd.s32 $0xFFFFE000  }
0x1b: {  	s15 =	sor.u32 s17, s15;
	_ =	swait.ge [sflag:s11], $0x2000  }
0x1c: {  	s15 =	sshrl.u32 s15, $0x3;
	[sflag:s11] =	ssyncset.done $0x0  }
0x1d: {  	s14 =	sadd.s32 s14, s15;
	[sflag:s11] =	ssyncadd.s32 $0xFFFFE000  }
0x1e: {  	[hbm4b:s14+s3] =	stream.linear.scatter [tilespmem:s7], [sflag:$0x2], $0x2000, $0x38;
	[tilespmem:$0x8200] =	vst v63  }
0x1f: {  	_ =	swait.ge [sflag:s4], $0x2000  }
0x20: {  	[sflag:s4] =	ssyncset.done $0x0  }
0x21: {  	s31 =	ssub.s32 $0x2, s16;
	s15 =	sadd.s32 $0x400, s14;
	[sflag:s4] =	ssyncadd.s32 $0xFFFFE000  }
0x22: {  	[hbm4b:s15+s3] =	stream.linear.scatter [tilespmem:s8], [sflag:$0x2], $0x2000, $0x38;
	[tilespmem:$0x8200] =	vst v63  }
0x23: {  	s18 =	sshrl.u32 s31, $0x1;
	_ =	swait.ge [sflag:s4], $0x2000  }
0x24: {  	s18 =	ssub.s32 s31, s18;
	[sflag:s4] =	ssyncset.done $0x0  }
0x25: {  	s18 =	smax.u32 s18, $0x1;
	s16 =	sadd.s32 $0x800, s14;
	[sflag:s4] =	ssyncadd.s32 $0xFFFFE000  }
0x26: {  	[hbm4b:s16+s3] =	stream.linear.scatter [tilespmem:s10], [sflag:$0x2], $0x2000, $0x38;
	[tilespmem:$0x8200] =	vst v63  }
0x27: {  	p0 =	sne.s32 s18, $0x1;
	_ =	swait.ge [sflag:s4], $0x2000  }
.Ltmp0:
0x28: {  	[sflag:s4] =	ssyncset.done $0x0;
	(pc) =	sbr.rel @!p0 .LBB2_2-.Ltmp0, $4  }
0x29: {  	s17 =	sadd.s32 $0xC00, s14;
	[sflag:s4] =	ssyncadd.s32 $0xFFFFE000  }
0x2a: {  	[hbm4b:s17+s3] =	stream.linear.scatter [tilespmem:s13], [sflag:$0x2], $0x2000, $0x38;
	[tilespmem:$0x8200] =	vst v63  }
0x2b: {  	_ =	swait.ge [sflag:s4], $0x2000  }
0x2c: {  	s18 =	sadd.s32 $0xFFFFFFFF, s18;
	[sflag:s4] =	ssyncset.done $0x0  }
.LBB2_1:
0x2d: {  	p0 =	sne.s32 s18, $0x1;
	s18 =	sadd.s32 $0xFFFFFFFF, s18;
	[sflag:s4] =	ssyncadd.s32 $0xFFFFE000  }
0x2e: {  	[tilespmem:s3], [sflag:$0x2] =	stream.linear.gather [hbm4b:s5+s3], $0x200, $0x38;
	[tilespmem:$0x8200] =	vst v63  }
0x2f: {  	_ =	swait.ge [sflag:s4], $0x200  }
0x30: {  	[sflag:s4] =	ssyncset.done $0x0  }
0x31: {  	[sflag:s4] =	ssyncadd.s32 $0xFFFFFE00  }
0x32: {  	[tilespmem:s7], [sflag:$0x1] =	stream.indirect.gather [hbm4b:s2+s6], $0x40, s3, s6, $0xb8;
	[tilespmem:$0x8200] =	vst v63  }
0x33: {  	_ = 	snop  }
0x34: {  	[tilespmem:s8], [sflag:$0x1] =	stream.indirect.gather [hbm4b:s2+s6], $0x40, s6, s6, $0xb8;
	[tilespmem:$0x8200] =	vst v63  }
0x35: {  	_ = 	snop  }
0x36: {  	[tilespmem:s10], [sflag:$0x1] =	stream.indirect.gather [hbm4b:s2+s6], $0x40, s9, s6, $0xb8;
	[tilespmem:$0x8200] =	vst v63  }
0x37: {  	_ = 	snop  }
0x38: {  	[tilespmem:s13], [sflag:$0x1] =	stream.indirect.gather [hbm4b:s2+s6], $0x40, s12, s6, $0xb8;
	[tilespmem:$0x8200] =	vst v63  }
0x39: {  	_ =	swait.ge [sflag:s11], $0x2000  }
0x3a: {  	[sflag:s11] =	ssyncset.done $0x0  }
0x3b: {  	[sflag:s11] =	ssyncadd.s32 $0xFFFFE000  }
0x3c: {  	_ =	swait.ge [sflag:s11], $0x2000  }
0x3d: {  	[sflag:s11] =	ssyncset.done $0x0  }
0x3e: {  	[sflag:s11] =	ssyncadd.s32 $0xFFFFE000  }
0x3f: {  	_ =	swait.ge [sflag:s11], $0x2000  }
0x40: {  	[sflag:s11] =	ssyncset.done $0x0  }
0x41: {  	[sflag:s11] =	ssyncadd.s32 $0xFFFFE000  }
0x42: {  	_ =	swait.ge [sflag:s11], $0x2000  }
0x43: {  	[sflag:s11] =	ssyncset.done $0x0  }
0x44: {  	[sflag:s11] =	ssyncadd.s32 $0xFFFFE000  }
0x45: {  	[hbm4b:s14+s3] =	stream.linear.scatter [tilespmem:s7], [sflag:$0x2], $0x2000, $0x38;
	[tilespmem:$0x8200] =	vst v63  }
0x46: {  	_ =	swait.ge [sflag:s4], $0x2000  }
0x47: {  	[sflag:s4] =	ssyncset.done $0x0  }
0x48: {  	[sflag:s4] =	ssyncadd.s32 $0xFFFFE000  }
0x49: {  	[hbm4b:s15+s3] =	stream.linear.scatter [tilespmem:s8], [sflag:$0x2], $0x2000, $0x38;
	[tilespmem:$0x8200] =	vst v63  }
0x4a: {  	_ =	swait.ge [sflag:s4], $0x2000  }
0x4b: {  	[sflag:s4] =	ssyncset.done $0x0  }
0x4c: {  	[sflag:s4] =	ssyncadd.s32 $0xFFFFE000  }
0x4d: {  	[hbm4b:s16+s3] =	stream.linear.scatter [tilespmem:s10], [sflag:$0x2], $0x2000, $0x38;
	[tilespmem:$0x8200] =	vst v63  }
0x4e: {  	_ =	swait.ge [sflag:s4], $0x2000  }
.Ltmp1:
0x4f: {  	[sflag:s4] =	ssyncset.done $0x0;
	(pc) =	sbr.rel @p0 .LBB2_1-.Ltmp1, $4  }
0x50: {  	[sflag:s4] =	ssyncadd.s32 $0xFFFFE000  }
0x51: {  	[hbm4b:s17+s3] =	stream.linear.scatter [tilespmem:s13], [sflag:$0x2], $0x2000, $0x38;
	[tilespmem:$0x8200] =	vst v63  }
0x52: {  	_ =	swait.ge [sflag:s4], $0x2000  }
0x53: {  	[sflag:s4] =	ssyncset.done $0x0  }
.LBB2_2:
0x54: {  	[sflag:s4] =	ssyncadd.s32 $0xFFFFE000  }
0x55: {  	_ =	sfence.sel $0x180000  }
0x56: {  	[bflag:$0x0] =	sbarrier.arrive $0xFFFF  }
0x57: {  	p0 =	sne.s32 s0, $0x0;
	_ =	strace $0x90000047  }
0x58: {  	s0 =	sadd.s32 @!p0 $0x100000, s1;
	[bflag:$0x2] =	sbarrier.arrive $0xFFFF  }
0x59: {  	[sflag:s0] =	ssyncadd.tile.s32 @!p0 $0x1;
	_ =	shalt  }
.Lfunc_end2:
_tile_overlayer_lowered:
.L_overlay_start_2:
0x5a: {  	(tag) =	ssettag $0x2  }
0x5b: {  	s0 =	rddreg [dreg:$0x0];
	s2 =	stileid.u32  }
0x5c: {  	s1 =	rddreg [dreg:$0x1];
	p0 =	sne.s32 s2, $0x0  }
0x5d: {  	s3 =	rddreg [dreg:$0x2];
	[bflag:$0x3] =	sbarrier.arrive $0xFFFF;
	s2 =	simm.s32 @!p0 $0x1C02  }
0x5e: {  	[timem:s3], [sflag:s2] =	dma.local @!p0 [hbm:s0], s1  }
0x5f: {  	s0 =	simm.s32 @!p0 $0x2  }
0x60: {  	_ =	swait.ge @!p0 [sflag:s0], s1  }
0x61: {  	s1 =	ssub.s32 @!p0 $0x0, s1;
	[sflag:s0] =	ssyncset.done @!p0 $0x0  }
0x62: {  	[sflag:s0] =	ssyncadd.s32 @!p0 s1  }
0x63: {  	[bflag:$0x3] =	sbarrier.arrive $0xFFFF  }
0x64: {  	_ =	shalt  }

</sc_bundles>
